<compile_context>
chip_gen: v7x
topology: tpu7x:2x2x1
jax: 0.10.2.dev20260603
libtpu: 0.0.44.dev20260713+nightly
codegen_flags: <defaults>
</compile_context>

<pallas_src>
import jax
import jax.numpy as jnp
from jax import lax
from jax.experimental import pallas as pl
from jax.experimental.pallas import tpu as pltpu
from jax.experimental.pallas import tpu_sc as plsc

_VOCAB = 100000
_D = 64
_B = 16384
_H = 50

_NC = 2
_NS = 16
_NW = _NC * _NS
_BPW = _B // _NW


def _bag_body(ids_t_hbm, table_hbm, out_hbm, idx_v, acc_v, sem):
    wid = lax.axis_index("s") * _NC + lax.axis_index("c")
    base = wid * _BPW

    pltpu.sync_copy(ids_t_hbm.at[:, pl.ds(base, _BPW)], idx_v)

    pltpu.async_copy(table_hbm.at[idx_v.at[0]], acc_v, sem).wait()

    def _fire(j, carry):
        pltpu.async_copy(table_hbm.at[idx_v.at[j]], acc_v, sem, add=True)
        return carry

    lax.fori_loop(1, _H, _fire, 0)

    def _drain(j, carry):
        pltpu.make_async_copy(table_hbm.at[idx_v.at[0]], acc_v, sem).wait()
        return carry

    lax.fori_loop(1, _H, _drain, 0)

    pltpu.sync_copy(acc_v, out_hbm.at[pl.ds(base, _BPW)])


_bag = pl.kernel(
    _bag_body,
    out_type=jax.ShapeDtypeStruct((_B, _D), jnp.float32),
    mesh=plsc.VectorSubcoreMesh(core_axis_name="c", subcore_axis_name="s"),
    scratch_types=[
        pltpu.VMEM((_H, _BPW), jnp.int32),
        pltpu.VMEM((_BPW, _D), jnp.float32),
        pltpu.SemaphoreType.DMA,
    ],
    compiler_params=pltpu.CompilerParams(use_tc_tiling_on_sc=False),
)


def kernel(ingredient_ids, embedding_table):
    ids_t = jnp.transpose(ingredient_ids.astype(jnp.int32))
    return _bag(ids_t, embedding_table)

# --- scband reference (transcript-rebuilt; emitter-appended) ---
"""Pipeline reference for scband-ingredient-encoder-18056042512792 (READ-ONLY COPY).

The authoritative reference and input builder live on the scoring server;
editing this copy changes nothing except your own understanding.
"""

import jax, jax.numpy as jnp
import numpy as np

VOCAB = 100000
EMBED_DIM = 64
BATCH = 16384
HIST = 50

def setup_inputs(seed: int = 0) -> dict:
    key = jax.random.key(seed)
    k_ids, k_tab = jax.random.split(key)
    ingredient_ids = jax.random.randint(k_ids, (BATCH, HIST), 0, VOCAB, dtype=jnp.int64 if jax.config.jax_enable_x64 else jnp.int32)
    embedding_table = jax.random.normal(k_tab, (VOCAB, EMBED_DIM), dtype=jnp.float32)
    return {"ingredient_ids": ingredient_ids, "embedding_table": embedding_table}

def reference(ingredient_ids, embedding_table):
    # gather rows from the embedding table, then sum over the bag (hist) dimension
    ingredient_embeds = jnp.take(embedding_table, ingredient_ids, axis=0)  # [B, L, D]
    return jnp.sum(ingredient_embeds, axis=1)  # [B, D]

if __name__ == "__main__":
    import jax
    _d = setup_inputs()
    print(jax.jit(kernel)(*tuple(_d.values())))

</pallas_src>

<mosaic_0001>
#map = affine_map<(d0, d1) -> (0, 0)>
module attributes {stable_mosaic.version = 14 : i64} {
  func.func @_bag_body(%arg0: i32, %arg1: i32, %arg2: memref<50x16384xi32, #tpu.memory_space<hbm>>, %arg3: memref<100000x64xf32, #tpu.memory_space<hbm>>, %arg4: memref<16384x64xf32, #tpu.memory_space<hbm>>, %arg5: memref<50x512xi32, #tpu.memory_space<vmem>>, %arg6: memref<512x64xf32, #tpu.memory_space<vmem>>, %arg7: memref<!tpu.dma_semaphore, #tpu.memory_space<semaphore_mem>>) attributes {dimension_semantics = [#tpu.dimension_semantics<core_parallel>, #tpu.dimension_semantics<subcore_parallel>], iteration_bounds = array<i64: 2, 16>, scalar_prefetch = 0 : i64, scratch_operands = 3 : i64, tpu.core_type = #tpu.core_type<sc_vector_subcore>, window_params = [{transform_indices = #map}, {transform_indices = #map}, {transform_indices = #map}]} {
    %mul3A = arith.constant 2 : i32
    %mul3A_0 = arith.muli %arg1, %mul3A : i32
    %add3A = arith.addi %mul3A_0, %arg0 : i32
    %mul3A_1 = arith.constant 512 : i32
    %mul3A_2 = arith.muli %add3A, %mul3A_1 : i32
    "tpu.region"() ({
      %run_scoped3A = tpu.sem_alloc : memref<!tpu.dma_semaphore, #tpu.memory_space<semaphore_mem>>
      %dma_start3A_26 = arith.constant 0 : i32
      %dma_start3A_27 = tpu.memref_slice %arg2[%dma_start3A_26, %mul3A_2] : memref<50x16384xi32, #tpu.memory_space<hbm>> -> memref<50x512xi32, #tpu.memory_space<hbm>>
      %dma_start3A_28 = arith.constant 0 : i32
      %dma_start3A_29 = tpu.memref_slice %arg2[%dma_start3A_28, %mul3A_2] : memref<50x16384xi32, #tpu.memory_space<hbm>> -> memref<50x512xi32, #tpu.memory_space<hbm>>
      tpu.enqueue_dma source(%dma_start3A_29 : memref<50x512xi32, #tpu.memory_space<hbm>>) target(%arg5 : memref<50x512xi32, #tpu.memory_space<vmem>>) target_semaphore(%run_scoped3A : memref<!tpu.dma_semaphore, #tpu.memory_space<semaphore_mem>>)
      %dma_wait3A_30 = arith.constant 0 : i32
      %dma_wait3A_31 = tpu.memref_slice %arg2[%dma_wait3A_30, %mul3A_2] : memref<50x16384xi32, #tpu.memory_space<hbm>> -> memref<50x512xi32, #tpu.memory_space<hbm>>
      %dma_wait3A_32 = arith.constant 0 : i32
      %dma_wait3A_33 = tpu.memref_slice %arg2[%dma_wait3A_32, %mul3A_2] : memref<50x16384xi32, #tpu.memory_space<hbm>> -> memref<50x512xi32, #tpu.memory_space<hbm>>
      tpu.wait_dma2 semaphore(%run_scoped3A : memref<!tpu.dma_semaphore, #tpu.memory_space<semaphore_mem>>) src(%dma_wait3A_33 : memref<50x512xi32, #tpu.memory_space<hbm>>) dst(%arg5 : memref<50x512xi32, #tpu.memory_space<vmem>>)
      tpu.yield
    }) : () -> ()
    %dma_start3A = arith.constant 0 : i32
    %dma_start3A_3 = arith.constant 0 : i32
    %dma_start3A_4 = tpu.memref_slice %arg5[%dma_start3A, %dma_start3A_3] : memref<50x512xi32, #tpu.memory_space<vmem>> -> memref<1x512xi32, #tpu.memory_space<vmem>>
    %dma_start3A_5 = tpu.memref_squeeze %dma_start3A_4 : memref<1x512xi32, #tpu.memory_space<vmem>> -> memref<512xi32, #tpu.memory_space<vmem>>
    %dma_start3A_6 = arith.constant 0 : i32
    %dma_start3A_7 = arith.constant 0 : i32
    %dma_start3A_8 = tpu.memref_slice %arg3[%dma_start3A_6, %dma_start3A_7] : memref<100000x64xf32, #tpu.memory_space<hbm>> -> memref<100000x64xf32, #tpu.memory_space<hbm>>
    tpu.enqueue_indirect_dma source(%dma_start3A_8 : memref<100000x64xf32, #tpu.memory_space<hbm>>) target(%arg6 : memref<512x64xf32, #tpu.memory_space<vmem>>) offsets(%dma_start3A_5 : memref<512xi32, #tpu.memory_space<vmem>>) semaphore(%arg7 : memref<!tpu.dma_semaphore, #tpu.memory_space<semaphore_mem>>)
    %dma_wait3A = arith.constant 0 : i32
    %dma_wait3A_9 = arith.constant 0 : i32
    %dma_wait3A_10 = tpu.memref_slice %arg5[%dma_wait3A, %dma_wait3A_9] : memref<50x512xi32, #tpu.memory_space<vmem>> -> memref<1x512xi32, #tpu.memory_space<vmem>>
    %dma_wait3A_11 = tpu.memref_squeeze %dma_wait3A_10 : memref<1x512xi32, #tpu.memory_space<vmem>> -> memref<512xi32, #tpu.memory_space<vmem>>
    %dma_wait3A_12 = arith.constant 0 : i32
    %dma_wait3A_13 = arith.constant 0 : i32
    %dma_wait3A_14 = tpu.memref_slice %arg3[%dma_wait3A_12, %dma_wait3A_13] : memref<100000x64xf32, #tpu.memory_space<hbm>> -> memref<100000x64xf32, #tpu.memory_space<hbm>>
    tpu.wait_indirect_dma semaphore(%arg7 : memref<!tpu.dma_semaphore, #tpu.memory_space<semaphore_mem>>) src(%dma_wait3A_14 : memref<100000x64xf32, #tpu.memory_space<hbm>>) dst(%arg6 : memref<512x64xf32, #tpu.memory_space<vmem>>)
    %scan3A = arith.constant 0 : i32
    %scan3A_15 = arith.constant 1 : i32
    %scan3A_16 = arith.constant 49 : i32
    %scan3A_17 = arith.addi %scan3A_15, %scan3A_16 : i32
    %scan3A_18 = arith.constant 1 : i32
    scf.for %scan3A_26 = %scan3A_15 to %scan3A_17 step %scan3A_18  : i32 {
      %dma_start3A_27 = arith.constant 0 : i32
      %dma_start3A_28 = tpu.memref_slice %arg5[%scan3A_26, %dma_start3A_27] : memref<50x512xi32, #tpu.memory_space<vmem>> -> memref<1x512xi32, #tpu.memory_space<vmem>>
      %dma_start3A_29 = tpu.memref_squeeze %dma_start3A_28 : memref<1x512xi32, #tpu.memory_space<vmem>> -> memref<512xi32, #tpu.memory_space<vmem>>
      %dma_start3A_30 = arith.constant 0 : i32
      %dma_start3A_31 = arith.constant 0 : i32
      %dma_start3A_32 = tpu.memref_slice %arg3[%dma_start3A_30, %dma_start3A_31] : memref<100000x64xf32, #tpu.memory_space<hbm>> -> memref<100000x64xf32, #tpu.memory_space<hbm>>
      tpu.enqueue_indirect_dma source(%dma_start3A_32 : memref<100000x64xf32, #tpu.memory_space<hbm>>) target(%arg6 : memref<512x64xf32, #tpu.memory_space<vmem>>) offsets(%dma_start3A_29 : memref<512xi32, #tpu.memory_space<vmem>>) semaphore(%arg7 : memref<!tpu.dma_semaphore, #tpu.memory_space<semaphore_mem>>) {add = true}
    }
    %scan3A_19 = arith.constant 49 : i32
    %scan3A_20 = arith.constant 0 : i32
    %scan3A_21 = arith.constant 1 : i32
    %scan3A_22 = arith.constant 49 : i32
    %scan3A_23 = arith.addi %scan3A_21, %scan3A_22 : i32
    %scan3A_24 = arith.constant 1 : i32
    scf.for %scan3A_26 = %scan3A_21 to %scan3A_23 step %scan3A_24  : i32 {
      %dma_wait3A_27 = arith.constant 0 : i32
      %dma_wait3A_28 = arith.constant 0 : i32
      %dma_wait3A_29 = tpu.memref_slice %arg5[%dma_wait3A_27, %dma_wait3A_28] : memref<50x512xi32, #tpu.memory_space<vmem>> -> memref<1x512xi32, #tpu.memory_space<vmem>>
      %dma_wait3A_30 = tpu.memref_squeeze %dma_wait3A_29 : memref<1x512xi32, #tpu.memory_space<vmem>> -> memref<512xi32, #tpu.memory_space<vmem>>
      %dma_wait3A_31 = arith.constant 0 : i32
      %dma_wait3A_32 = arith.constant 0 : i32
      %dma_wait3A_33 = tpu.memref_slice %arg3[%dma_wait3A_31, %dma_wait3A_32] : memref<100000x64xf32, #tpu.memory_space<hbm>> -> memref<100000x64xf32, #tpu.memory_space<hbm>>
      tpu.wait_indirect_dma semaphore(%arg7 : memref<!tpu.dma_semaphore, #tpu.memory_space<semaphore_mem>>) src(%dma_wait3A_33 : memref<100000x64xf32, #tpu.memory_space<hbm>>) dst(%arg6 : memref<512x64xf32, #tpu.memory_space<vmem>>)
    }
    %scan3A_25 = arith.constant 49 : i32
    "tpu.region"() ({
      %run_scoped3A = tpu.sem_alloc : memref<!tpu.dma_semaphore, #tpu.memory_space<semaphore_mem>>
      %dma_start3A_26 = arith.constant 0 : i32
      %dma_start3A_27 = tpu.memref_slice %arg4[%mul3A_2, %dma_start3A_26] : memref<16384x64xf32, #tpu.memory_space<hbm>> -> memref<512x64xf32, #tpu.memory_space<hbm>>
      %dma_start3A_28 = arith.constant 0 : i32
      %dma_start3A_29 = tpu.memref_slice %arg4[%mul3A_2, %dma_start3A_28] : memref<16384x64xf32, #tpu.memory_space<hbm>> -> memref<512x64xf32, #tpu.memory_space<hbm>>
      tpu.enqueue_dma source(%arg6 : memref<512x64xf32, #tpu.memory_space<vmem>>) target(%dma_start3A_29 : memref<512x64xf32, #tpu.memory_space<hbm>>) target_semaphore(%run_scoped3A : memref<!tpu.dma_semaphore, #tpu.memory_space<semaphore_mem>>)
      %dma_wait3A_30 = arith.constant 0 : i32
      %dma_wait3A_31 = tpu.memref_slice %arg4[%mul3A_2, %dma_wait3A_30] : memref<16384x64xf32, #tpu.memory_space<hbm>> -> memref<512x64xf32, #tpu.memory_space<hbm>>
      %dma_wait3A_32 = arith.constant 0 : i32
      %dma_wait3A_33 = tpu.memref_slice %arg4[%mul3A_2, %dma_wait3A_32] : memref<16384x64xf32, #tpu.memory_space<hbm>> -> memref<512x64xf32, #tpu.memory_space<hbm>>
      tpu.wait_dma2 semaphore(%run_scoped3A : memref<!tpu.dma_semaphore, #tpu.memory_space<semaphore_mem>>) src(%arg6 : memref<512x64xf32, #tpu.memory_space<vmem>>) dst(%dma_wait3A_33 : memref<512x64xf32, #tpu.memory_space<hbm>>)
      tpu.yield
    }) : () -> ()
    return
  }
}

</mosaic_0001>

<sc_bundles>
// kernel: kernel.3.cloned.1.call-start
scs
__scs_entry_jumppad:
0x0: {  	(pc) =	sbr.rel $0x88, $3  }
0x1: {  	(tag) =	ssettag $0x0;
	lr =	simm.s32 $0x1  }
0x2: {  	[smem:$0x3F9F] =	sst lr;
	_ =	strace $0xD0000000  }
0x3: {  	_ = 	snop  }
0x4: {  	_ = 	snop  }
0x5: {  	_ = 	snop  }
0x6: {  	_ = 	snop  }
0x7: {  	_ = 	snop  }
__scs_overlays_trampoline_lowered:
0x8: {  	[smem:$0x3FAE] =	sst s0  }
0x9: {  	[smem:$0x3FAF] =	sst s1  }
0xa: {  	[smem:$0x3FB0] =	sst s2  }
0xb: {  	[smem:$0x3FB1] =	sst s3  }
0xc: {  	[smem:$0x3FB2] =	sst s4  }
0xd: {  	[smem:$0x3FB3] =	sst s5  }
0xe: {  	[smem:$0x3FB4] =	sst s6  }
0xf: {  	[smem:$0x3FB5] =	sst s7  }
0x10: {  	[smem:$0x3FB6] =	sst s8  }
0x11: {  	[smem:$0x3FB7] =	sst s9;
	s0 =	simm.s32 @!p0 $0x0  }
0x12: {  	s1 =	sld [smem:$0x3F9D];
	s0 =	simm.s32 @p0 $0x1  }
0x13: {  	[smem:$0x3FB8] =	sst s0;
	s0 =	simm.s32 @!p1 $0x0  }
0x14: {  	s2 =	sld [smem:$0x3F9C];
	s0 =	simm.s32 @p1 $0x1  }
0x15: {  	[smem:$0x3FB9] =	sst s0;
	s0 =	simm.s32 @!p2 $0x0  }
0x16: {  	s3 =	sld [smem:$0x3FDB];
	s0 =	simm.s32 @p2 $0x1  }
0x17: {  	s4 =	simm.s32 $0x1BF5;
	[smem:$0x3FBB] =	sst s0  }
0x18: {  	s0 =	sld [smem:$0x3F9E];
	_ =	swait.ge [sflag:s4], $0x0  }
0x19: {  	s7 =	sld [smem:$0x3F9F]  }
0x1a: {  	s8 =	sadd.s32 $0xFFFFE003, lr  }
0x1b: {  	s9 =	sadd.s32 $0xFFFFFEF7, lr;
	s5 =	simm.s32 $0xFFFFFFFF;
	p2 =	slt.u32 s8, $0xFFFFF086  }
0x1c: {  	p1 =	slt.u32 s9, $0xF7A;
	s5 =	simm.s32 @!p2 $0x0  }
0x1d: {  	s5 =	simm.s32 @p1 $0x1;
	p0 =	seq.s32 s7, s2  }
0x1e: {  	s7 =	smul.u32 @!p0 $0xF7A, s2;
	p2 =	seq.s32 @!p0 s5, $0x0  }
0x1f: {  	s9 =	smul.u32 $0xF7A, s1;
	s8 =	simm.s32 @!p0 $0x1BF5;
	p2 =	por !p2, p0  }
0x20: {  	[sflag:s8] =	ssyncset.s32 @!p0 $0xFFFFF086;
	s6 =	sadd.s32 @!p0 s3, s7;
	s7 =	simm.s32 @!p0 $0x108  }
0x21: {  	s3 =	sadd.s32 s3, s9;
	s6 =	sadd.s32 @!p0 $0x88, s6;
	s7 =	simm.s32 @p2 $0x1082  }
0x22: {  	[simem:s7], [sflag:s8] =	dma.local @!p0 [hbm:s6], $0xF7A  }
0x23: {  	s9 =	sor.u32 $0xD0000000, s2;
	s6 =	simm.s32 $0x108;
	_ =	swait.ge @!p0 [sflag:s8], $0x0  }
0x24: {  	s3 =	sadd.s32 $0x88, s3;
	s6 =	simm.s32 @!p1 $0x1082;
	[sflag:s4] =	ssyncset.s32 $0xFFFFF086  }
0x25: {  	[simem:s6], [sflag:s4] =	dma.local [hbm:s3], $0xF7A  }
0x26: {  	[smem:$0x3F9F] =	sst s1;
	(tag) =	ssettag s2;
	_ =	strace s9  }
0x27: {  	s1 =	sld [smem:$0x3FAF]  }
0x28: {  	s2 =	sld [smem:$0x3FB0]  }
0x29: {  	s4 =	sld [smem:$0x3FB2]  }
0x2a: {  	p0 =	seq.s32 s5, $0x0;
	s5 =	sld [smem:$0x3FB3]  }
0x2b: {  	s6 =	sld [smem:$0x3FB4]  }
0x2c: {  	s7 =	sld [smem:$0x3FB5]  }
0x2d: {  	s3 =	simm.s32 $0x108;
	s8 =	sld [smem:$0x3FB6]  }
0x2e: {  	s3 =	simm.s32 @!p0 $0x1082;
	s9 =	sld [smem:$0x3FB7]  }
0x2f: {  	lr =	sadd.s32 s0, s3;
	s0 =	sld [smem:$0x3FAE]  }
0x30: {  	s3 =	sld [smem:$0x3FB1]  }
0x31: {  	[smem:$0x3FBA] =	sst s10  }
0x32: {  	s10 =	sld [smem:$0x3FB8];
	_ =	sdelay $0x3  }
0x33: {  	p0 =	seq.s32 s10, $0x1;
	s10 =	sld [smem:$0x3FBA];
	_ =	sdelay $0x3  }
0x34: {  	[smem:$0x3FBA] =	sst s10  }
0x35: {  	s10 =	sld [smem:$0x3FB9];
	_ =	sdelay $0x3  }
0x36: {  	p1 =	seq.s32 s10, $0x1;
	s10 =	sld [smem:$0x3FBA];
	_ =	sdelay $0x3  }
0x37: {  	[smem:$0x3FBA] =	sst s10  }
0x38: {  	s10 =	sld [smem:$0x3FBB]  }
0x39: {  	_ = 	snop;
	(pc) =	sbr.ind lr, $3  }
0x3a: {  	_ = 	snop  }
0x3b: {  	_ = 	snop  }
0x3c: {  	p2 =	seq.s32 s10, $0x1;
	s10 =	sld [smem:$0x3FBA]  }
0x3d: {  	_ =	shalt  }
0x3e: {  	_ =	shalt  }
0x3f: {  	_ =	shalt  }
0x40: {  	_ =	shalt  }
0x41: {  	_ =	shalt  }
0x42: {  	_ =	shalt  }
0x43: {  	_ =	shalt  }
0x44: {  	_ =	shalt  }
0x45: {  	_ =	shalt  }
0x46: {  	_ =	shalt  }
0x47: {  	_ =	shalt  }
0x48: {  	_ =	shalt  }
0x49: {  	_ =	shalt  }
0x4a: {  	_ =	shalt  }
0x4b: {  	_ =	shalt  }
0x4c: {  	_ =	shalt  }
0x4d: {  	_ =	shalt  }
0x4e: {  	_ =	shalt  }
0x4f: {  	_ =	shalt  }
0x50: {  	_ =	shalt  }
0x51: {  	_ =	shalt  }
0x52: {  	_ =	shalt  }
0x53: {  	_ =	shalt  }
0x54: {  	_ =	shalt  }
0x55: {  	_ =	shalt  }
0x56: {  	_ =	shalt  }
0x57: {  	_ =	shalt  }
0x58: {  	_ =	shalt  }
0x59: {  	_ =	shalt  }
0x5a: {  	_ =	shalt  }
0x5b: {  	_ =	shalt  }
0x5c: {  	_ =	shalt  }
0x5d: {  	_ =	shalt  }
0x5e: {  	_ =	shalt  }
0x5f: {  	_ =	shalt  }
0x60: {  	_ =	shalt  }
0x61: {  	_ =	shalt  }
0x62: {  	_ =	shalt  }
0x63: {  	_ =	shalt  }
0x64: {  	_ =	shalt  }
0x65: {  	_ =	shalt  }
0x66: {  	_ =	shalt  }
0x67: {  	_ =	shalt  }
0x68: {  	_ =	shalt  }
0x69: {  	_ =	shalt  }
0x6a: {  	_ =	shalt  }
0x6b: {  	_ =	shalt  }
0x6c: {  	_ =	shalt  }
0x6d: {  	_ =	shalt  }
0x6e: {  	_ =	shalt  }
0x6f: {  	_ =	shalt  }
0x70: {  	_ =	shalt  }
0x71: {  	_ =	shalt  }
0x72: {  	_ =	shalt  }
0x73: {  	_ =	shalt  }
0x74: {  	_ =	shalt  }
0x75: {  	_ =	shalt  }
0x76: {  	_ =	shalt  }
0x77: {  	_ =	shalt  }
0x78: {  	_ =	shalt  }
0x79: {  	_ =	shalt  }
0x7a: {  	_ =	shalt  }
0x7b: {  	_ =	shalt  }
0x7c: {  	_ =	shalt  }
0x7d: {  	_ =	shalt  }
0x7e: {  	_ =	shalt  }
0x7f: {  	_ =	shalt  }
0x80: {  	_ =	shalt  }
0x81: {  	_ =	shalt  }
0x82: {  	_ =	shalt  }
0x83: {  	_ =	shalt  }
0x84: {  	_ =	shalt  }
0x85: {  	_ =	shalt  }
0x86: {  	_ =	shalt  }
0x87: {  	_ =	shalt  }
.Lfunc_end0:
.L_simem_size_0:
called_computation_lowered:
.L_overlay_start_0:
0x88: {  	s2 =	sld [smem:$0x3FD9]  }
0x89: {  	s3 =	sld [smem:$0x3FFE];
	_ =	sdelay $0x1  }
0x8a: {  	s1 =	srdreg.scid  }
0x8b: {  	s0 =	sand.u32 $0x1, s1  }
0x8c: {  	s17 =	sshll.u32 s0, $0xA;
	s2 =	sadd.s32 s3, s2  }
0x8d: {  	s2 =	sadd.s32 s2, s17  }
0x8e: {  	[smem:$0x3FC6] =	sst s2  }
0x8f: {  	_ = 	snop  }
0x90: {  	s2 =	sld [smem:$0x3FD0];
	(tm) =	ssettm $0x1  }
0x91: {  	s18 =	sld [smem:$0x3FFB];
	_ =	sdelay $0x3  }
0x92: {  	_ =	strace s18  }
0x93: {  	s3 =	sld [smem:$0x3FFC];
	_ =	sdelay $0x3  }
0x94: {  	_ =	strace s3  }
0x95: {  	s3 =	sld [smem:$0x3FFD];
	_ =	sdelay $0x3  }
0x96: {  	_ =	strace s3  }
0x97: {  	_ =	strace $0x8FFFFFFF  }
0x98: {  	s19 =	sld [smem:$0x3FDB];
	_ =	sdelay $0x1  }
0x99: {  	s4 =	simm.s32 $_scs_section_size  }
0x9a: {  	s5 =	simm.s32 $_size__tile_overlayer_lowered;
	s6 =	simm.s32 $_tile_overlayer_lowered  }
0x9b: {  	s22 =	simm.s32 $0x1BFF;
	s21 =	sshll.u32 s6, $0x1;
	s3 =	sadd.s32 s4, s19  }
0x9c: {  	s7 =	simm.s32 $0x0;
	s20 =	sshll.u32 s5, $0x1;
	s5 =	sadd.s32 s21, s3  }
0x9d: {  	[timem:s7], [sflag:s22] =	dma.local [hbm:s5], s20  }
0x9e: {  	_ =	swait.ge [sflag:s22], s20  }
0x9f: {  	s4 =	ssub.s32 $0x0, s20;
	[sflag:s22] =	ssyncset.done $0x0  }
0xa0: {  	[sflag:s22] =	ssyncadd.s32 s4;
	_ =	sdelay $0x1  }
0xa1: {  	s23 =	simm.s32 $0x1B8B  }
0xa2: {  	_ =	swait.ge [sflag:s23], $0x1  }
0xa3: {  	[sflag:s23] =	ssyncset.done $0x0  }
0xa4: {  	s25 =	simm.s32 $0x1B8E;
	s24 =	sld [smem:$0x3FFE];
	[sflag:s23] =	ssyncadd.s32 $0xFFFFFFFF  }
0xa5: {  	s26 =	simm.s32 $execute0_lowered;
	[smem:$0x3FD2] =	sst s25  }
0xa6: {  	s5 =	sshll.u32 s26, $0x1;
	_ =	strace $0x80000046;
	[dreg:$0x1] =	wrdreg $0xFFFFFFFF  }
0xa7: {  	s28 =	simm.s32 $_size_execute0_lowered;
	s3 =	sadd.s32 s3, s5;
	[dreg:$0x0] =	wrdreg $0x0  }
0xa8: {  	s5 =	sshll.u32 s28, $0x1;
	[dreg:$0x2] =	wrdreg s3  }
0xa9: {  	[dreg:$0x3] =	wrdreg s5  }
0xaa: {  	[dreg:$0x4] =	wrdreg $0xC0  }
0xab: {  	_ =	task [dreg:s7], $0x5FFFF  }
0xac: {  	[dreg:$0x1] =	wrdreg $0xFFFFFFFF  }
0xad: {  	[dreg:$0x0] =	wrdreg $0x60  }
0xae: {  	[dreg:$0x2] =	wrdreg s24  }
0xaf: {  	[dreg:$0x3] =	wrdreg s2  }
0xb0: {  	[dreg:$0x4] =	wrdreg $0x9  }
0xb1: {  	_ =	task.clear_ibuf [dreg:s7], $0x5FFFF;
	_ =	strace $0x90000046  }
0xb2: {  	s29 =	simm.s32 $0x9;
	_ =	strace $0x80000048  }
0xb3: {  	_ =	swait.ge [sflag:s29], $0x1  }
0xb4: {  	[sflag:s29] =	ssyncadd.s32 $0xFFFFFFFF  }
0xb5: {  	_ =	strace $0x90000048  }
0xb6: {  	_ =	sfence  }
0xb7: {  	s30 =	sld [smem:$0x0];
	_ =	sdelay $0x2  }
0xb8: {  	s31 =	sshll.u32 s1, $0xD;
	s1 =	sshrl.u32 s1, $0x2  }
0xb9: {  	s3 =	sand.u32 $0x4000, s31;
	s1 =	sadd.s32 s1, s30  }
0xba: {  	s0 =	sor.u32 s3, s0;
	s1 =	sshll.u32 s1, $0x11  }
0xbb: {  	s0 =	sor.u32 s1, s0  }
0xbc: {  	s0 =	sadd.s32 $0x8F2B, s0  }
0xbd: {  	[sflag:s0] =	ssyncadd.remote.s32 $0x1  }
0xbe: {  	_ =	sfence.sel $0xFFFF  }
0xbf: {  	[dreg:$0x0] =	wrdreg $0xFFFFFFFF;
	(pc) =	sbr.abs _section_cstart, $3  }
0xc0: {  	[dreg:$0x1] =	wrdreg $0xFFFFFFFF  }
0xc1: {  	_ =	task.clear_ibuf [dreg:s7], $0x2FFFF;
	_ =	strace $0x9FFFFFFF  }
0xc2: {  	(tm) =	ssettm $0x7FFFFFFF  }
0xc3: {  	_ =	shalt  }
tec
execute0_lowered:
.L_overlay_start_1:
0x0: {  	(tag) =	ssettag $0x1  }
0x1: {  	s0 =	srdreg.scid;
	s1 =	rddreg [dreg:$0x0]  }
0x2: {  	s2 =	stileid.u32;
	s5 =	rddreg [dreg:$0x1]  }
0x3: {  	s8 =	simm.s32 $0x4000;
	s9 =	simm.s32 $0x2;
	s10 =	simm.s32 $0x6400  }
0x4: {  	s11 =	simm.s32 $0x1;
	s19 =	simm.s32 $0x3C00;
	s20 =	simm.s32 $0x3E00  }
0x5: {  	s21 =	simm.s32 $0x4200;
	s22 =	simm.s32 $0x4400;
	s23 =	simm.s32 $0x4600  }
0x6: {  	s24 =	simm.s32 $0x4800;
	s25 =	simm.s32 $0x4A00;
	s28 =	simm.s32 $0x4E00  }
0x7: {  	s29 =	simm.s32 $0x5000;
	s30 =	simm.s32 $0x5200;
	s31 =	simm.s32 $0x5400  }
0x8: {  	s12 =	simm.s32 $0x5A00;
	s13 =	simm.s32 $0x5C00;
	s14 =	simm.s32 $0x5E00  }
0x9: {  	s15 =	simm.s32 $0x6000;
	s16 =	simm.s32 $0x6200;
	s17 =	simm.s32 $0x0  }
0xa: {  	s0 =	sand.u32 $0x1, s0;
	s3 =	sshll.u32 s2, $0xA;
	s2 =	simm.s32 $0x0  }
0xb: {  	s4 =	sshll.u32 s0, $0x9;
	[smem:$0x7FF] =	sst s2;
	s0 =	ssub.s32 $0x2, s0  }
0xc: {  	s4 =	sor.u32 s4, s3;
	_ =	strace $0x80000047;
	s26 =	sshrl.u32 s0, $0x1  }
0xd: {  	s3 =	sshrl.u32 s4, $0x3;
	s7 =	sshll.u32 s4, $0x3;
	s0 =	ssub.s32 s0, s26  }
0xe: {  	s26 =	simm.s32 $0x4C00;
	s6 =	sadd.s32 s3, s1;
	s3 =	sadd.s32 $0x187000, s1  }
0xf: {  	s5 =	sadd.s32 s5, s7;
	s7 =	simm.s32 $0x200;
	s1 =	simm.s32 $0x5600  }
0x10: {  	s4 =	sadd.s32 $0x600, s6;
	s6 =	smax.u32 s0, $0x1;
	s0 =	simm.s32 $0x5800  }
.LBB2_1:
0x11: {  	[tilespmem:s2], [sflag:$0x2] =	stream.strided.gather [hbm4b:s4+s7], $0x6400, s8, s7, $0x38;
	[tilespmem:$0xE400] =	vst v63  }
0x12: {  	_ =	swait.ge [sflag:s9], $0x6400  }
0x13: {  	[sflag:s9] =	ssyncset.done $0x0  }
0x14: {  	[sflag:s9] =	ssyncadd.s32 $0xFFFF9C00  }
0x15: {  	[tilespmem:s10], [sflag:$0x1] =	stream.indirect.gather [hbm4b:s3+s7], $0x40, s2, s7, $0xb8;
	[tilespmem:$0xE400] =	vst v63  }
0x16: {  	_ =	swait.ge [sflag:s11], $0x8000  }
0x17: {  	[sflag:s11] =	ssyncset.done $0x0  }
0x18: {  	[sflag:s11] =	ssyncadd.s32 $0xFFFF8000  }
0x19: {  	[tilespmem:s10], [sflag:$0x1] =	stream.indirect.gather.add.f32 [hbm:s3], $0x40, s7, s7, $0xb8;
	[tilespmem:$0xE400] =	vst v63  }
0x1a: {  	s18 =	simm.s32 $0x400  }
0x1b: {  	[tilespmem:s10], [sflag:$0x1] =	stream.indirect.gather.add.f32 [hbm:s3], $0x40, s18, s7, $0xb8;
	[tilespmem:$0xE400] =	vst v63  }
0x1c: {  	s18 =	simm.s32 $0x600  }
0x1d: {  	[tilespmem:s10], [sflag:$0x1] =	stream.indirect.gather.add.f32 [hbm:s3], $0x40, s18, s7, $0xb8;
	[tilespmem:$0xE400] =	vst v63  }
0x1e: {  	s18 =	simm.s32 $0x800  }
0x1f: {  	[tilespmem:s10], [sflag:$0x1] =	stream.indirect.gather.add.f32 [hbm:s3], $0x40, s18, s7, $0xb8;
	[tilespmem:$0xE400] =	vst v63  }
0x20: {  	s18 =	simm.s32 $0xA00  }
0x21: {  	[tilespmem:s10], [sflag:$0x1] =	stream.indirect.gather.add.f32 [hbm:s3], $0x40, s18, s7, $0xb8;
	[tilespmem:$0xE400] =	vst v63  }
0x22: {  	s18 =	simm.s32 $0xC00  }
0x23: {  	[tilespmem:s10], [sflag:$0x1] =	stream.indirect.gather.add.f32 [hbm:s3], $0x40, s18, s7, $0xb8;
	[tilespmem:$0xE400] =	vst v63  }
0x24: {  	s18 =	simm.s32 $0xE00  }
0x25: {  	[tilespmem:s10], [sflag:$0x1] =	stream.indirect.gather.add.f32 [hbm:s3], $0x40, s18, s7, $0xb8;
	[tilespmem:$0xE400] =	vst v63  }
0x26: {  	s18 =	simm.s32 $0x1000  }
0x27: {  	[tilespmem:s10], [sflag:$0x1] =	stream.indirect.gather.add.f32 [hbm:s3], $0x40, s18, s7, $0xb8;
	[tilespmem:$0xE400] =	vst v63  }
0x28: {  	s18 =	simm.s32 $0x1200  }
0x29: {  	[tilespmem:s10], [sflag:$0x1] =	stream.indirect.gather.add.f32 [hbm:s3], $0x40, s18, s7, $0xb8;
	[tilespmem:$0xE400] =	vst v63  }
0x2a: {  	s18 =	simm.s32 $0x1400  }
0x2b: {  	[tilespmem:s10], [sflag:$0x1] =	stream.indirect.gather.add.f32 [hbm:s3], $0x40, s18, s7, $0xb8;
	[tilespmem:$0xE400] =	vst v63  }
0x2c: {  	s18 =	simm.s32 $0x1600  }
0x2d: {  	[tilespmem:s10], [sflag:$0x1] =	stream.indirect.gather.add.f32 [hbm:s3], $0x40, s18, s7, $0xb8;
	[tilespmem:$0xE400] =	vst v63  }
0x2e: {  	s18 =	simm.s32 $0x1800  }
0x2f: {  	[tilespmem:s10], [sflag:$0x1] =	stream.indirect.gather.add.f32 [hbm:s3], $0x40, s18, s7, $0xb8;
	[tilespmem:$0xE400] =	vst v63  }
0x30: {  	s18 =	simm.s32 $0x1A00  }
0x31: {  	[tilespmem:s10], [sflag:$0x1] =	stream.indirect.gather.add.f32 [hbm:s3], $0x40, s18, s7, $0xb8;
	[tilespmem:$0xE400] =	vst v63  }
0x32: {  	s18 =	simm.s32 $0x1C00  }
0x33: {  	[tilespmem:s10], [sflag:$0x1] =	stream.indirect.gather.add.f32 [hbm:s3], $0x40, s18, s7, $0xb8;
	[tilespmem:$0xE400] =	vst v63  }
0x34: {  	s18 =	simm.s32 $0x1E00  }
0x35: {  	[tilespmem:s10], [sflag:$0x1] =	stream.indirect.gather.add.f32 [hbm:s3], $0x40, s18, s7, $0xb8;
	[tilespmem:$0xE400] =	vst v63  }
0x36: {  	s18 =	simm.s32 $0x2000  }
0x37: {  	[tilespmem:s10], [sflag:$0x1] =	stream.indirect.gather.add.f32 [hbm:s3], $0x40, s18, s7, $0xb8;
	[tilespmem:$0xE400] =	vst v63  }
0x38: {  	s18 =	simm.s32 $0x2200  }
0x39: {  	[tilespmem:s10], [sflag:$0x1] =	stream.indirect.gather.add.f32 [hbm:s3], $0x40, s18, s7, $0xb8;
	[tilespmem:$0xE400] =	vst v63  }
0x3a: {  	s18 =	simm.s32 $0x2400  }
0x3b: {  	[tilespmem:s10], [sflag:$0x1] =	stream.indirect.gather.add.f32 [hbm:s3], $0x40, s18, s7, $0xb8;
	[tilespmem:$0xE400] =	vst v63  }
0x3c: {  	s18 =	simm.s32 $0x2600  }
0x3d: {  	[tilespmem:s10], [sflag:$0x1] =	stream.indirect.gather.add.f32 [hbm:s3], $0x40, s18, s7, $0xb8;
	[tilespmem:$0xE400] =	vst v63  }
0x3e: {  	s18 =	simm.s32 $0x2800  }
0x3f: {  	[tilespmem:s10], [sflag:$0x1] =	stream.indirect.gather.add.f32 [hbm:s3], $0x40, s18, s7, $0xb8;
	[tilespmem:$0xE400] =	vst v63  }
0x40: {  	s18 =	simm.s32 $0x2A00  }
0x41: {  	[tilespmem:s10], [sflag:$0x1] =	stream.indirect.gather.add.f32 [hbm:s3], $0x40, s18, s7, $0xb8;
	[tilespmem:$0xE400] =	vst v63  }
0x42: {  	s18 =	simm.s32 $0x2C00  }
0x43: {  	[tilespmem:s10], [sflag:$0x1] =	stream.indirect.gather.add.f32 [hbm:s3], $0x40, s18, s7, $0xb8;
	[tilespmem:$0xE400] =	vst v63  }
0x44: {  	s18 =	simm.s32 $0x2E00  }
0x45: {  	[tilespmem:s10], [sflag:$0x1] =	stream.indirect.gather.add.f32 [hbm:s3], $0x40, s18, s7, $0xb8;
	[tilespmem:$0xE400] =	vst v63  }
0x46: {  	s18 =	simm.s32 $0x3000  }
0x47: {  	[tilespmem:s10], [sflag:$0x1] =	stream.indirect.gather.add.f32 [hbm:s3], $0x40, s18, s7, $0xb8;
	[tilespmem:$0xE400] =	vst v63  }
0x48: {  	s18 =	simm.s32 $0x3200  }
0x49: {  	[tilespmem:s10], [sflag:$0x1] =	stream.indirect.gather.add.f32 [hbm:s3], $0x40, s18, s7, $0xb8;
	[tilespmem:$0xE400] =	vst v63  }
0x4a: {  	s18 =	simm.s32 $0x3400  }
0x4b: {  	[tilespmem:s10], [sflag:$0x1] =	stream.indirect.gather.add.f32 [hbm:s3], $0x40, s18, s7, $0xb8;
	[tilespmem:$0xE400] =	vst v63  }
0x4c: {  	s18 =	simm.s32 $0x3600  }
0x4d: {  	[tilespmem:s10], [sflag:$0x1] =	stream.indirect.gather.add.f32 [hbm:s3], $0x40, s18, s7, $0xb8;
	[tilespmem:$0xE400] =	vst v63  }
0x4e: {  	s18 =	simm.s32 $0x3800  }
0x4f: {  	[tilespmem:s10], [sflag:$0x1] =	stream.indirect.gather.add.f32 [hbm:s3], $0x40, s18, s7, $0xb8;
	[tilespmem:$0xE400] =	vst v63  }
0x50: {  	s18 =	simm.s32 $0x3A00  }
0x51: {  	[tilespmem:s10], [sflag:$0x1] =	stream.indirect.gather.add.f32 [hbm:s3], $0x40, s18, s7, $0xb8;
	[tilespmem:$0xE400] =	vst v63  }
0x52: {  	_ = 	snop  }
0x53: {  	[tilespmem:s10], [sflag:$0x1] =	stream.indirect.gather.add.f32 [hbm:s3], $0x40, s19, s7, $0xb8;
	[tilespmem:$0xE400] =	vst v63  }
0x54: {  	_ = 	snop  }
0x55: {  	[tilespmem:s10], [sflag:$0x1] =	stream.indirect.gather.add.f32 [hbm:s3], $0x40, s20, s7, $0xb8;
	[tilespmem:$0xE400] =	vst v63  }
0x56: {  	_ = 	snop  }
0x57: {  	[tilespmem:s10], [sflag:$0x1] =	stream.indirect.gather.add.f32 [hbm:s3], $0x40, s8, s7, $0xb8;
	[tilespmem:$0xE400] =	vst v63  }
0x58: {  	_ = 	snop  }
0x59: {  	[tilespmem:s10], [sflag:$0x1] =	stream.indirect.gather.add.f32 [hbm:s3], $0x40, s21, s7, $0xb8;
	[tilespmem:$0xE400] =	vst v63  }
0x5a: {  	_ = 	snop  }
0x5b: {  	[tilespmem:s10], [sflag:$0x1] =	stream.indirect.gather.add.f32 [hbm:s3], $0x40, s22, s7, $0xb8;
	[tilespmem:$0xE400] =	vst v63  }
0x5c: {  	_ = 	snop  }
0x5d: {  	[tilespmem:s10], [sflag:$0x1] =	stream.indirect.gather.add.f32 [hbm:s3], $0x40, s23, s7, $0xb8;
	[tilespmem:$0xE400] =	vst v63  }
0x5e: {  	_ = 	snop  }
0x5f: {  	[tilespmem:s10], [sflag:$0x1] =	stream.indirect.gather.add.f32 [hbm:s3], $0x40, s24, s7, $0xb8;
	[tilespmem:$0xE400] =	vst v63  }
0x60: {  	_ = 	snop  }
0x61: {  	[tilespmem:s10], [sflag:$0x1] =	stream.indirect.gather.add.f32 [hbm:s3], $0x40, s25, s7, $0xb8;
	[tilespmem:$0xE400] =	vst v63  }
0x62: {  	_ = 	snop  }
0x63: {  	[tilespmem:s10], [sflag:$0x1] =	stream.indirect.gather.add.f32 [hbm:s3], $0x40, s26, s7, $0xb8;
	[tilespmem:$0xE400] =	vst v63  }
0x64: {  	_ = 	snop  }
0x65: {  	[tilespmem:s10], [sflag:$0x1] =	stream.indirect.gather.add.f32 [hbm:s3], $0x40, s28, s7, $0xb8;
	[tilespmem:$0xE400] =	vst v63  }
0x66: {  	_ = 	snop  }
0x67: {  	[tilespmem:s10], [sflag:$0x1] =	stream.indirect.gather.add.f32 [hbm:s3], $0x40, s29, s7, $0xb8;
	[tilespmem:$0xE400] =	vst v63  }
0x68: {  	_ = 	snop  }
0x69: {  	[tilespmem:s10], [sflag:$0x1] =	stream.indirect.gather.add.f32 [hbm:s3], $0x40, s30, s7, $0xb8;
	[tilespmem:$0xE400] =	vst v63  }
0x6a: {  	_ = 	snop  }
0x6b: {  	[tilespmem:s10], [sflag:$0x1] =	stream.indirect.gather.add.f32 [hbm:s3], $0x40, s31, s7, $0xb8;
	[tilespmem:$0xE400] =	vst v63  }
0x6c: {  	_ = 	snop  }
0x6d: {  	[tilespmem:s10], [sflag:$0x1] =	stream.indirect.gather.add.f32 [hbm:s3], $0x40, s1, s7, $0xb8;
	[tilespmem:$0xE400] =	vst v63  }
0x6e: {  	_ = 	snop  }
0x6f: {  	[tilespmem:s10], [sflag:$0x1] =	stream.indirect.gather.add.f32 [hbm:s3], $0x40, s0, s7, $0xb8;
	[tilespmem:$0xE400] =	vst v63  }
0x70: {  	_ = 	snop  }
0x71: {  	[tilespmem:s10], [sflag:$0x1] =	stream.indirect.gather.add.f32 [hbm:s3], $0x40, s12, s7, $0xb8;
	[tilespmem:$0xE400] =	vst v63  }
0x72: {  	_ = 	snop  }
0x73: {  	[tilespmem:s10], [sflag:$0x1] =	stream.indirect.gather.add.f32 [hbm:s3], $0x40, s13, s7, $0xb8;
	[tilespmem:$0xE400] =	vst v63  }
0x74: {  	_ = 	snop  }
0x75: {  	[tilespmem:s10], [sflag:$0x1] =	stream.indirect.gather.add.f32 [hbm:s3], $0x40, s14, s7, $0xb8;
	[tilespmem:$0xE400] =	vst v63  }
0x76: {  	_ = 	snop  }
0x77: {  	[tilespmem:s10], [sflag:$0x1] =	stream.indirect.gather.add.f32 [hbm:s3], $0x40, s15, s7, $0xb8;
	[tilespmem:$0xE400] =	vst v63  }
0x78: {  	_ = 	snop  }
0x79: {  	[tilespmem:s10], [sflag:$0x1] =	stream.indirect.gather.add.f32 [hbm:s3], $0x40, s16, s7, $0xb8;
	[tilespmem:$0xE400] =	vst v63  }
0x7a: {  	_ =	swait.ge [sflag:s11], $0x8000  }
0x7b: {  	s18 =	simm.s32 $0x30;
	[sflag:s11] =	ssyncset.done $0x0  }
.LBB2_2:
0x7c: {  	p0 =	sne.s32 s18, $0x1;
	s18 =	sadd.s32 $0xFFFFFFFF, s18;
	[sflag:s11] =	ssyncadd.s32 $0xFFFF8000  }
.Ltmp0:
0x7d: {  	(pc) =	sbr.rel @p0 .LBB2_2-.Ltmp0, $3  }
0x7e: {  	_ =	sdelay $0x1  }
0x7f: {  	_ =	swait.ge [sflag:s11], $0x8000  }
0x80: {  	[sflag:s11] =	ssyncset.done $0x0  }
0x81: {  	s17 =	sadd.s32 $0x1, s17  }
0x82: {  	p0 =	sne.s32 s17, s6  }
.Ltmp1:
0x83: {  	[sflag:s11] =	ssyncadd.s32 $0xFFFF8000;
	(pc) =	sbr.rel @p0 .LBB2_1-.Ltmp1, $4  }
0x84: {  	[hbm4b:s5+s2] =	stream.linear.scatter [tilespmem:s10], [sflag:$0x2], $0x8000, $0x38;
	[tilespmem:$0xE400] =	vst v63  }
0x85: {  	_ =	swait.ge [sflag:s9], $0x8000  }
0x86: {  	[sflag:s9] =	ssyncset.done $0x0  }
0x87: {  	[sflag:s9] =	ssyncadd.s32 $0xFFFF8000  }
0x88: {  	_ =	sfence.sel $0x180000  }
0x89: {  	[bflag:$0x0] =	sbarrier.arrive $0xFFFF  }
0x8a: {  	_ =	strace $0x90000047  }
0x8b: {  	s0 =	stileid.u32;
	[bflag:$0x2] =	sbarrier.arrive $0xFFFF  }
0x8c: {  	p0 =	sne.s32 s0, $0x0;
	s0 =	rddreg [dreg:$0x2]  }
0x8d: {  	s0 =	sadd.s32 @!p0 $0x100000, s0  }
0x8e: {  	[sflag:s0] =	ssyncadd.tile.s32 @!p0 $0x1;
	_ =	shalt  }
.Lfunc_end2:
_tile_overlayer_lowered:
.L_overlay_start_2:
0x8f: {  	(tag) =	ssettag $0x2  }
0x90: {  	s0 =	rddreg [dreg:$0x0];
	s2 =	stileid.u32  }
0x91: {  	s1 =	rddreg [dreg:$0x1];
	p0 =	sne.s32 s2, $0x0  }
0x92: {  	s3 =	rddreg [dreg:$0x2];
	[bflag:$0x3] =	sbarrier.arrive $0xFFFF;
	s2 =	simm.s32 @!p0 $0x1C02  }
0x93: {  	[timem:s3], [sflag:s2] =	dma.local @!p0 [hbm:s0], s1  }
0x94: {  	s0 =	simm.s32 @!p0 $0x2  }
0x95: {  	_ =	swait.ge @!p0 [sflag:s0], s1  }
0x96: {  	s1 =	ssub.s32 @!p0 $0x0, s1;
	[sflag:s0] =	ssyncset.done @!p0 $0x0  }
0x97: {  	[sflag:s0] =	ssyncadd.s32 @!p0 s1  }
0x98: {  	[bflag:$0x3] =	sbarrier.arrive $0xFFFF  }
0x99: {  	_ =	shalt  }

</sc_bundles>
